<compile_context>
chip_gen: v7x
topology: tpu7x:2x2x1
jax: 0.10.2.dev20260603
libtpu: 0.0.44.dev20260713+nightly
codegen_flags: <defaults>
</compile_context>

<pallas_src>
import functools

import jax
import jax.numpy as jnp
from jax import lax
from jax.experimental import pallas as pl
from jax.experimental.pallas import tpu as pltpu
from jax.experimental.pallas import tpu_sc as plsc

N_ATOMS = 100000
N_BASIS = 128
CHUNK = 80
NUM_CHUNKS = N_ATOMS // CHUNK
NUM_CORES = 2
NUM_SUBCORES = 16
NW = NUM_CORES * NUM_SUBCORES
BASE_ITERS = NUM_CHUNKS // NW
REM = NUM_CHUNKS % NW
NTOT = BASE_ITERS + 1
IDX_SPAN = NTOT * CHUNK
NBUF = 4
GROUPS = NTOT // NBUF


def _gather_body(z_hbm, table_hbm, out_hbm, table_s, idx_all, *bufs):
    rows = list(bufs[:NBUF])
    gsem = list(bufs[NBUF:2 * NBUF])
    ssem = list(bufs[2 * NBUF:3 * NBUF])
    wid = lax.axis_index("s") * NUM_CORES + lax.axis_index("c")
    s_w = wid * BASE_ITERS + jnp.minimum(wid, REM)
    n_w = BASE_ITERS + jnp.where(wid < REM, 1, 0)
    load_base = jnp.minimum(s_w * CHUNK, N_ATOMS - IDX_SPAN)

    def idx_view(j):
        kk = jnp.minimum(j, n_w - 1)
        off = (s_w + kk) * CHUNK - load_base
        return idx_all.at[pl.ds(off, CHUNK)], (s_w + kk) * CHUNK

    sid = lax.axis_index("s")
    isem = gsem[1]
    pltpu.async_copy(z_hbm.at[pl.ds(load_base, IDX_SPAN)], idx_all, isem)

    @pl.when(sid == 0)
    def _stage_lo():
        pltpu.sync_copy(table_hbm.at[pl.ds(0, 48)], table_s.at[pl.ds(0, 48)])

    @pl.when(sid == 1)
    def _stage_hi():
        pltpu.sync_copy(table_hbm.at[pl.ds(48, 52)], table_s.at[pl.ds(48, 52)])

    plsc.subcore_barrier()
    pltpu.make_async_copy(
        z_hbm.at[pl.ds(load_base, IDX_SPAN)], idx_all, isem).wait()
    iv0, _ = idx_view(0)
    pltpu.async_copy(table_s.at[iv0], rows[0], gsem[0])

    def body(g, carry):
        for b in range(NBUF):
            j = g * NBUF + b
            bn = (b + 1) % NBUF

            @pl.when(j >= NBUF - 1)
            def _wait_store():
                ivp, basep = idx_view(j + 1 - NBUF)
                pltpu.make_async_copy(
                    rows[bn], out_hbm.at[pl.ds(basep, CHUNK)], ssem[bn]).wait()

            @pl.when(j < NTOT - 1)
            def _next_gather():
                ivn, _ = idx_view(j + 1)
                pltpu.async_copy(table_s.at[ivn], rows[bn], gsem[bn])

            iv, base = idx_view(j)
            pltpu.make_async_copy(table_s.at[iv], rows[b], gsem[b]).wait()
            pltpu.async_copy(rows[b], out_hbm.at[pl.ds(base, CHUNK)], ssem[b])
        return carry

    lax.fori_loop(0, GROUPS, body, 0)

    for j in range(NTOT - NBUF + 1, NTOT):
        b = j % NBUF
        _, basej = idx_view(j)
        pltpu.make_async_copy(
            rows[b], out_hbm.at[pl.ds(basej, CHUNK)], ssem[b]).wait()


def kernel(dR, Z, embed_table):
    del dR
    run = functools.partial(
        pl.kernel,
        out_type=jax.ShapeDtypeStruct((N_ATOMS, N_BASIS), jnp.float32),
        mesh=plsc.VectorSubcoreMesh(core_axis_name="c", subcore_axis_name="s"),
        scratch_types=[
            pltpu.VMEM_SHARED((100, N_BASIS), jnp.float32),
            pltpu.VMEM((IDX_SPAN,), jnp.int32),
        ] + [pltpu.VMEM((CHUNK, N_BASIS), jnp.float32)] * NBUF
          + [pltpu.SemaphoreType.DMA] * (2 * NBUF),
    )(_gather_body)
    return run(Z.astype(jnp.int32), embed_table)

# --- scband reference (transcript-rebuilt; emitter-appended) ---
"""Pipeline reference for scband-schnax-16226386444348 (READ-ONLY COPY).

The authoritative reference and input builder live on the scoring server;
editing this copy changes nothing except your own understanding.
"""

import jax, jax.numpy as jnp
import numpy as np

R_CUTOFF = 5.0
N_ATOM_BASIS = 128
MAX_Z = 100
N_GAUSSIANS = 25
N_ATOMS = 100000
N_NEIGHBORS = 64


def setup_inputs(seed: int = 0) -> dict:
    key = jax.random.key(seed)
    k1, k2, k3 = jax.random.split(key, 3)
    # distances in [0, r_cutoff)
    dR = jax.random.uniform(k1, (N_ATOMS, N_NEIGHBORS), dtype=jnp.float32) * R_CUTOFF
    # atomic numbers < max_z
    Z = jax.random.randint(k2, (N_ATOMS,), 0, MAX_Z, dtype=jnp.int64 if jax.config.jax_enable_x64 else jnp.int32)
    # learned embedding table per hk.Embed(max_z, n_atom_basis)
    embed_table = jax.random.normal(k3, (MAX_Z, N_ATOM_BASIS), dtype=jnp.float32) * 0.02
    return {"dR": dR, "Z": Z, "embed_table": embed_table}


def gaussian_smearing(dR, start=0.0, stop=R_CUTOFF, n_gaussians=N_GAUSSIANS):
    # GaussianSmearing: expand distances in Gaussian radial basis
    offsets = jnp.linspace(start, stop, n_gaussians)
    coeff = -0.5 / (offsets[1] - offsets[0]) ** 2
    diff = dR[..., None] - offsets  # [N, K, n_gaussians]
    return jnp.exp(coeff * diff ** 2)


def reference(dR, Z, embed_table):
    # x = self.embedding(Z)  -> gather rows of embedding table
    x = jnp.take(embed_table, Z, axis=0)  # [N, n_atom_basis]
    # hk.set_state('embedding', x)  (state side-effect)
    dR_expanded = gaussian_smearing(dR)  # [N, K, n_gaussians]
    # hk.set_state('distance_expansion', dR_expanded)  (state side-effect)
    _ = dR_expanded
    return x

if __name__ == "__main__":
    import jax
    _d = setup_inputs()
    print(jax.jit(kernel)(*tuple(_d.values())))

</pallas_src>

<mosaic_0001>
#map = affine_map<(d0, d1) -> (0)>
#map1 = affine_map<(d0, d1) -> (0, 0)>
module attributes {stable_mosaic.version = 14 : i64} {
  func.func @_gather_body(%arg0: i32, %arg1: i32, %arg2: memref<100000xi32, #tpu.memory_space<hbm>>, %arg3: memref<100x128xf32, #tpu.memory_space<hbm>>, %arg4: memref<100000x128xf32, #tpu.memory_space<hbm>>, %arg5: memref<100x128xf32, #tpu.memory_space<vmem_shared>>, %arg6: memref<3200xi32, #tpu.memory_space<vmem>>, %arg7: memref<80x128xf32, #tpu.memory_space<vmem>>, %arg8: memref<80x128xf32, #tpu.memory_space<vmem>>, %arg9: memref<80x128xf32, #tpu.memory_space<vmem>>, %arg10: memref<80x128xf32, #tpu.memory_space<vmem>>, %arg11: memref<!tpu.dma_semaphore, #tpu.memory_space<semaphore_mem>>, %arg12: memref<!tpu.dma_semaphore, #tpu.memory_space<semaphore_mem>>, %arg13: memref<!tpu.dma_semaphore, #tpu.memory_space<semaphore_mem>>, %arg14: memref<!tpu.dma_semaphore, #tpu.memory_space<semaphore_mem>>, %arg15: memref<!tpu.dma_semaphore, #tpu.memory_space<semaphore_mem>>, %arg16: memref<!tpu.dma_semaphore, #tpu.memory_space<semaphore_mem>>, %arg17: memref<!tpu.dma_semaphore, #tpu.memory_space<semaphore_mem>>, %arg18: memref<!tpu.dma_semaphore, #tpu.memory_space<semaphore_mem>>) attributes {dimension_semantics = [#tpu.dimension_semantics<core_parallel>, #tpu.dimension_semantics<subcore_parallel>], iteration_bounds = array<i64: 2, 16>, scalar_prefetch = 0 : i64, scratch_operands = 14 : i64, tpu.core_type = #tpu.core_type<sc_vector_subcore>, window_params = [{transform_indices = #map}, {transform_indices = #map1}, {transform_indices = #map1}]} {
    %mul3A = arith.constant 2 : i32
    %mul3A_0 = arith.muli %arg1, %mul3A : i32
    %add3A = arith.addi %mul3A_0, %arg0 : i32
    %mul3A_1 = arith.constant 39 : i32
    %mul3A_2 = arith.muli %add3A, %mul3A_1 : i32
    %min3A = arith.constant 2 : i32
    %min3A_3 = arith.minsi %add3A, %min3A : i32
    %add3A_4 = arith.addi %mul3A_2, %min3A_3 : i32
    %lt3A = arith.constant 2 : i32
    %lt3A_5 = arith.cmpi slt, %add3A, %lt3A : i32
    %jit3A = arith.constant 1 : i32
    %jit3A_6 = arith.constant 0 : i32
    %select_n3A = arith.select %lt3A_5, %jit3A, %jit3A_6 : i32
    %add3A_7 = arith.constant 39 : i32
    %add3A_8 = arith.addi %add3A_7, %select_n3A : i32
    %mul3A_9 = arith.constant 80 : i32
    %mul3A_10 = arith.muli %add3A_4, %mul3A_9 : i32
    %min3A_11 = arith.constant 96800 : i32
    %min3A_12 = arith.minsi %mul3A_10, %min3A_11 : i32
    %dma_start3A = tpu.memref_slice %arg2[%min3A_12] : memref<100000xi32, #tpu.memory_space<hbm>> -> memref<3200xi32, #tpu.memory_space<hbm>>
    %dma_start3A_13 = tpu.memref_slice %arg2[%min3A_12] : memref<100000xi32, #tpu.memory_space<hbm>> -> memref<3200xi32, #tpu.memory_space<hbm>>
    tpu.enqueue_dma source(%dma_start3A_13 : memref<3200xi32, #tpu.memory_space<hbm>>) target(%arg6 : memref<3200xi32, #tpu.memory_space<vmem>>) target_semaphore(%arg12 : memref<!tpu.dma_semaphore, #tpu.memory_space<semaphore_mem>>)
    %eq3A = arith.constant 0 : i32
    %eq3A_14 = arith.cmpi eq, %arg1, %eq3A : i32
    %convert_element_type3A = arith.extui %eq3A_14 : i1 to i32
    %cond3A = arith.constant 0 : i32
    %cond3A_15 = arith.cmpi ne, %convert_element_type3A, %cond3A : i32
    scf.if %cond3A_15 {
      "tpu.region"() ({
        %run_scoped3A = tpu.sem_alloc : memref<!tpu.dma_semaphore, #tpu.memory_space<semaphore_mem>>
        %dma_start3A_86 = arith.constant 0 : i32
        %dma_start3A_87 = arith.constant 0 : i32
        %dma_start3A_88 = tpu.memref_slice %arg5[%dma_start3A_86, %dma_start3A_87] : memref<100x128xf32, #tpu.memory_space<vmem_shared>> -> memref<48x128xf32, #tpu.memory_space<vmem_shared>>
        %dma_start3A_89 = arith.constant 0 : i32
        %dma_start3A_90 = arith.constant 0 : i32
        %dma_start3A_91 = tpu.memref_slice %arg3[%dma_start3A_89, %dma_start3A_90] : memref<100x128xf32, #tpu.memory_space<hbm>> -> memref<48x128xf32, #tpu.memory_space<hbm>>
        tpu.enqueue_dma source(%dma_start3A_91 : memref<48x128xf32, #tpu.memory_space<hbm>>) target(%dma_start3A_88 : memref<48x128xf32, #tpu.memory_space<vmem_shared>>) target_semaphore(%run_scoped3A : memref<!tpu.dma_semaphore, #tpu.memory_space<semaphore_mem>>)
        %dma_wait3A_92 = arith.constant 0 : i32
        %dma_wait3A_93 = arith.constant 0 : i32
        %dma_wait3A_94 = tpu.memref_slice %arg5[%dma_wait3A_92, %dma_wait3A_93] : memref<100x128xf32, #tpu.memory_space<vmem_shared>> -> memref<48x128xf32, #tpu.memory_space<vmem_shared>>
        %dma_wait3A_95 = arith.constant 0 : i32
        %dma_wait3A_96 = arith.constant 0 : i32
        %dma_wait3A_97 = tpu.memref_slice %arg3[%dma_wait3A_95, %dma_wait3A_96] : memref<100x128xf32, #tpu.memory_space<hbm>> -> memref<48x128xf32, #tpu.memory_space<hbm>>
        tpu.wait_dma2 semaphore(%run_scoped3A : memref<!tpu.dma_semaphore, #tpu.memory_space<semaphore_mem>>) src(%dma_wait3A_97 : memref<48x128xf32, #tpu.memory_space<hbm>>) dst(%dma_wait3A_94 : memref<48x128xf32, #tpu.memory_space<vmem_shared>>)
        tpu.yield
      }) : () -> ()
    } else {
    }
    %eq3A_16 = arith.constant 1 : i32
    %eq3A_17 = arith.cmpi eq, %arg1, %eq3A_16 : i32
    %convert_element_type3A_18 = arith.extui %eq3A_17 : i1 to i32
    %cond3A_19 = arith.constant 0 : i32
    %cond3A_20 = arith.cmpi ne, %convert_element_type3A_18, %cond3A_19 : i32
    scf.if %cond3A_20 {
      "tpu.region"() ({
        %run_scoped3A = tpu.sem_alloc : memref<!tpu.dma_semaphore, #tpu.memory_space<semaphore_mem>>
        %dma_start3A_86 = arith.constant 48 : i32
        %dma_start3A_87 = arith.constant 0 : i32
        %dma_start3A_88 = tpu.memref_slice %arg5[%dma_start3A_86, %dma_start3A_87] : memref<100x128xf32, #tpu.memory_space<vmem_shared>> -> memref<52x128xf32, #tpu.memory_space<vmem_shared>>
        %dma_start3A_89 = arith.constant 48 : i32
        %dma_start3A_90 = arith.constant 0 : i32
        %dma_start3A_91 = tpu.memref_slice %arg3[%dma_start3A_89, %dma_start3A_90] : memref<100x128xf32, #tpu.memory_space<hbm>> -> memref<52x128xf32, #tpu.memory_space<hbm>>
        tpu.enqueue_dma source(%dma_start3A_91 : memref<52x128xf32, #tpu.memory_space<hbm>>) target(%dma_start3A_88 : memref<52x128xf32, #tpu.memory_space<vmem_shared>>) target_semaphore(%run_scoped3A : memref<!tpu.dma_semaphore, #tpu.memory_space<semaphore_mem>>)
        %dma_wait3A_92 = arith.constant 48 : i32
        %dma_wait3A_93 = arith.constant 0 : i32
        %dma_wait3A_94 = tpu.memref_slice %arg5[%dma_wait3A_92, %dma_wait3A_93] : memref<100x128xf32, #tpu.memory_space<vmem_shared>> -> memref<52x128xf32, #tpu.memory_space<vmem_shared>>
        %dma_wait3A_95 = arith.constant 48 : i32
        %dma_wait3A_96 = arith.constant 0 : i32
        %dma_wait3A_97 = tpu.memref_slice %arg3[%dma_wait3A_95, %dma_wait3A_96] : memref<100x128xf32, #tpu.memory_space<hbm>> -> memref<52x128xf32, #tpu.memory_space<hbm>>
        tpu.wait_dma2 semaphore(%run_scoped3A : memref<!tpu.dma_semaphore, #tpu.memory_space<semaphore_mem>>) src(%dma_wait3A_97 : memref<52x128xf32, #tpu.memory_space<hbm>>) dst(%dma_wait3A_94 : memref<52x128xf32, #tpu.memory_space<vmem_shared>>)
        tpu.yield
      }) : () -> ()
    } else {
    }
    %barrier3A = arith.constant 0 : index
    tpu.barrier barrier_id(%barrier3A)
    %dma_wait3A = tpu.memref_slice %arg2[%min3A_12] : memref<100000xi32, #tpu.memory_space<hbm>> -> memref<3200xi32, #tpu.memory_space<hbm>>
    %dma_wait3A_21 = tpu.memref_slice %arg2[%min3A_12] : memref<100000xi32, #tpu.memory_space<hbm>> -> memref<3200xi32, #tpu.memory_space<hbm>>
    tpu.wait_dma2 semaphore(%arg12 : memref<!tpu.dma_semaphore, #tpu.memory_space<semaphore_mem>>) src(%dma_wait3A_21 : memref<3200xi32, #tpu.memory_space<hbm>>) dst(%arg6 : memref<3200xi32, #tpu.memory_space<vmem>>)
    %sub3A = arith.constant 1 : i32
    %sub3A_22 = arith.subi %add3A_8, %sub3A : i32
    %min3A_23 = arith.constant 0 : i32
    %min3A_24 = arith.minsi %min3A_23, %sub3A_22 : i32
    %add3A_25 = arith.addi %add3A_4, %min3A_24 : i32
    %mul3A_26 = arith.constant 80 : i32
    %mul3A_27 = arith.muli %add3A_25, %mul3A_26 : i32
    %sub3A_28 = arith.subi %mul3A_27, %min3A_12 : i32
    %add3A_29 = arith.addi %add3A_4, %min3A_24 : i32
    %mul3A_30 = arith.constant 80 : i32
    %mul3A_31 = arith.muli %add3A_29, %mul3A_30 : i32
    %dma_start3A_32 = tpu.memref_slice %arg6[%sub3A_28] : memref<3200xi32, #tpu.memory_space<vmem>> -> memref<80xi32, #tpu.memory_space<vmem>>
    %dma_start3A_33 = arith.constant 0 : i32
    %dma_start3A_34 = arith.constant 0 : i32
    %dma_start3A_35 = tpu.memref_slice %arg5[%dma_start3A_33, %dma_start3A_34] : memref<100x128xf32, #tpu.memory_space<vmem_shared>> -> memref<100x128xf32, #tpu.memory_space<vmem_shared>>
    tpu.enqueue_indirect_dma source(%dma_start3A_35 : memref<100x128xf32, #tpu.memory_space<vmem_shared>>) target(%arg7 : memref<80x128xf32, #tpu.memory_space<vmem>>) offsets(%dma_start3A_32 : memref<80xi32, #tpu.memory_space<vmem>>) semaphore(%arg11 : memref<!tpu.dma_semaphore, #tpu.memory_space<semaphore_mem>>)
    %scan3A = arith.constant 0 : i32
    %scan3A_36 = arith.constant 0 : i32
    %scan3A_37 = arith.constant 10 : i32
    %scan3A_38 = arith.addi %scan3A_36, %scan3A_37 : i32
    %scan3A_39 = arith.constant 1 : i32
    scf.for %scan3A_86 = %scan3A_36 to %scan3A_38 step %scan3A_39  : i32 {
      %mul3A_87 = arith.constant 4 : i32
      %mul3A_88 = arith.muli %scan3A_86, %mul3A_87 : i32
      %add3A_89 = arith.constant 0 : i32
      %add3A_90 = arith.addi %mul3A_88, %add3A_89 : i32
      %ge3A = arith.constant 3 : i32
      %ge3A_91 = arith.cmpi sge, %add3A_90, %ge3A : i32
      %convert_element_type3A_92 = arith.extui %ge3A_91 : i1 to i32
      %cond3A_93 = arith.constant 0 : i32
      %cond3A_94 = arith.cmpi ne, %convert_element_type3A_92, %cond3A_93 : i32
      scf.if %cond3A_94 {
        %add3A_214 = arith.constant 1 : i32
        %add3A_215 = arith.addi %add3A_90, %add3A_214 : i32
        %sub3A_216 = arith.constant 4 : i32
        %sub3A_217 = arith.subi %add3A_215, %sub3A_216 : i32
        %sub3A_218 = arith.constant 1 : i32
        %sub3A_219 = arith.subi %add3A_8, %sub3A_218 : i32
        %min3A_220 = arith.minsi %sub3A_217, %sub3A_219 : i32
        %add3A_221 = arith.addi %add3A_4, %min3A_220 : i32
        %mul3A_222 = arith.constant 80 : i32
        %mul3A_223 = arith.muli %add3A_221, %mul3A_222 : i32
        %sub3A_224 = arith.subi %mul3A_223, %min3A_12 : i32
        %add3A_225 = arith.addi %add3A_4, %min3A_220 : i32
        %mul3A_226 = arith.constant 80 : i32
        %mul3A_227 = arith.muli %add3A_225, %mul3A_226 : i32
        %dma_wait3A_228 = arith.constant 0 : i32
        %dma_wait3A_229 = tpu.memref_slice %arg4[%mul3A_227, %dma_wait3A_228] : memref<100000x128xf32, #tpu.memory_space<hbm>> -> memref<80x128xf32, #tpu.memory_space<hbm>>
        %dma_wait3A_230 = arith.constant 0 : i32
        %dma_wait3A_231 = tpu.memref_slice %arg4[%mul3A_227, %dma_wait3A_230] : memref<100000x128xf32, #tpu.memory_space<hbm>> -> memref<80x128xf32, #tpu.memory_space<hbm>>
        tpu.wait_dma2 semaphore(%arg16 : memref<!tpu.dma_semaphore, #tpu.memory_space<semaphore_mem>>) src(%arg8 : memref<80x128xf32, #tpu.memory_space<vmem>>) dst(%dma_wait3A_231 : memref<80x128xf32, #tpu.memory_space<hbm>>)
      } else {
      }
      %lt3A_95 = arith.constant 39 : i32
      %lt3A_96 = arith.cmpi slt, %add3A_90, %lt3A_95 : i32
      %convert_element_type3A_97 = arith.extui %lt3A_96 : i1 to i32
      %cond3A_98 = arith.constant 0 : i32
      %cond3A_99 = arith.cmpi ne, %convert_element_type3A_97, %cond3A_98 : i32
      scf.if %cond3A_99 {
        %add3A_214 = arith.constant 1 : i32
        %add3A_215 = arith.addi %add3A_90, %add3A_214 : i32
        %sub3A_216 = arith.constant 1 : i32
        %sub3A_217 = arith.subi %add3A_8, %sub3A_216 : i32
        %min3A_218 = arith.minsi %add3A_215, %sub3A_217 : i32
        %add3A_219 = arith.addi %add3A_4, %min3A_218 : i32
        %mul3A_220 = arith.constant 80 : i32
        %mul3A_221 = arith.muli %add3A_219, %mul3A_220 : i32
        %sub3A_222 = arith.subi %mul3A_221, %min3A_12 : i32
        %add3A_223 = arith.addi %add3A_4, %min3A_218 : i32
        %mul3A_224 = arith.constant 80 : i32
        %mul3A_225 = arith.muli %add3A_223, %mul3A_224 : i32
        %dma_start3A_226 = tpu.memref_slice %arg6[%sub3A_222] : memref<3200xi32, #tpu.memory_space<vmem>> -> memref<80xi32, #tpu.memory_space<vmem>>
        %dma_start3A_227 = arith.constant 0 : i32
        %dma_start3A_228 = arith.constant 0 : i32
        %dma_start3A_229 = tpu.memref_slice %arg5[%dma_start3A_227, %dma_start3A_228] : memref<100x128xf32, #tpu.memory_space<vmem_shared>> -> memref<100x128xf32, #tpu.memory_space<vmem_shared>>
        tpu.enqueue_indirect_dma source(%dma_start3A_229 : memref<100x128xf32, #tpu.memory_space<vmem_shared>>) target(%arg8 : memref<80x128xf32, #tpu.memory_space<vmem>>) offsets(%dma_start3A_226 : memref<80xi32, #tpu.memory_space<vmem>>) semaphore(%arg12 : memref<!tpu.dma_semaphore, #tpu.memory_space<semaphore_mem>>)
      } else {
      }
      %sub3A_100 = arith.constant 1 : i32
      %sub3A_101 = arith.subi %add3A_8, %sub3A_100 : i32
      %min3A_102 = arith.minsi %add3A_90, %sub3A_101 : i32
      %add3A_103 = arith.addi %add3A_4, %min3A_102 : i32
      %mul3A_104 = arith.constant 80 : i32
      %mul3A_105 = arith.muli %add3A_103, %mul3A_104 : i32
      %sub3A_106 = arith.subi %mul3A_105, %min3A_12 : i32
      %add3A_107 = arith.addi %add3A_4, %min3A_102 : i32
      %mul3A_108 = arith.constant 80 : i32
      %mul3A_109 = arith.muli %add3A_107, %mul3A_108 : i32
      %dma_wait3A_110 = tpu.memref_slice %arg6[%sub3A_106] : memref<3200xi32, #tpu.memory_space<vmem>> -> memref<80xi32, #tpu.memory_space<vmem>>
      %dma_wait3A_111 = arith.constant 0 : i32
      %dma_wait3A_112 = arith.constant 0 : i32
      %dma_wait3A_113 = tpu.memref_slice %arg5[%dma_wait3A_111, %dma_wait3A_112] : memref<100x128xf32, #tpu.memory_space<vmem_shared>> -> memref<100x128xf32, #tpu.memory_space<vmem_shared>>
      tpu.wait_indirect_dma semaphore(%arg11 : memref<!tpu.dma_semaphore, #tpu.memory_space<semaphore_mem>>) src(%dma_wait3A_113 : memref<100x128xf32, #tpu.memory_space<vmem_shared>>) dst(%arg7 : memref<80x128xf32, #tpu.memory_space<vmem>>)
      %dma_start3A_114 = arith.constant 0 : i32
      %dma_start3A_115 = tpu.memref_slice %arg4[%mul3A_109, %dma_start3A_114] : memref<100000x128xf32, #tpu.memory_space<hbm>> -> memref<80x128xf32, #tpu.memory_space<hbm>>
      %dma_start3A_116 = arith.constant 0 : i32
      %dma_start3A_117 = tpu.memref_slice %arg4[%mul3A_109, %dma_start3A_116] : memref<100000x128xf32, #tpu.memory_space<hbm>> -> memref<80x128xf32, #tpu.memory_space<hbm>>
      tpu.enqueue_dma source(%arg7 : memref<80x128xf32, #tpu.memory_space<vmem>>) target(%dma_start3A_117 : memref<80x128xf32, #tpu.memory_space<hbm>>) target_semaphore(%arg15 : memref<!tpu.dma_semaphore, #tpu.memory_space<semaphore_mem>>)
      %mul3A_118 = arith.constant 4 : i32
      %mul3A_119 = arith.muli %scan3A_86, %mul3A_118 : i32
      %add3A_120 = arith.constant 1 : i32
      %add3A_121 = arith.addi %mul3A_119, %add3A_120 : i32
      %ge3A_122 = arith.constant 3 : i32
      %ge3A_123 = arith.cmpi sge, %add3A_121, %ge3A_122 : i32
      %convert_element_type3A_124 = arith.extui %ge3A_123 : i1 to i32
      %cond3A_125 = arith.constant 0 : i32
      %cond3A_126 = arith.cmpi ne, %convert_element_type3A_124, %cond3A_125 : i32
      scf.if %cond3A_126 {
        %add3A_214 = arith.constant 1 : i32
        %add3A_215 = arith.addi %add3A_121, %add3A_214 : i32
        %sub3A_216 = arith.constant 4 : i32
        %sub3A_217 = arith.subi %add3A_215, %sub3A_216 : i32
        %sub3A_218 = arith.constant 1 : i32
        %sub3A_219 = arith.subi %add3A_8, %sub3A_218 : i32
        %min3A_220 = arith.minsi %sub3A_217, %sub3A_219 : i32
        %add3A_221 = arith.addi %add3A_4, %min3A_220 : i32
        %mul3A_222 = arith.constant 80 : i32
        %mul3A_223 = arith.muli %add3A_221, %mul3A_222 : i32
        %sub3A_224 = arith.subi %mul3A_223, %min3A_12 : i32
        %add3A_225 = arith.addi %add3A_4, %min3A_220 : i32
        %mul3A_226 = arith.constant 80 : i32
        %mul3A_227 = arith.muli %add3A_225, %mul3A_226 : i32
        %dma_wait3A_228 = arith.constant 0 : i32
        %dma_wait3A_229 = tpu.memref_slice %arg4[%mul3A_227, %dma_wait3A_228] : memref<100000x128xf32, #tpu.memory_space<hbm>> -> memref<80x128xf32, #tpu.memory_space<hbm>>
        %dma_wait3A_230 = arith.constant 0 : i32
        %dma_wait3A_231 = tpu.memref_slice %arg4[%mul3A_227, %dma_wait3A_230] : memref<100000x128xf32, #tpu.memory_space<hbm>> -> memref<80x128xf32, #tpu.memory_space<hbm>>
        tpu.wait_dma2 semaphore(%arg17 : memref<!tpu.dma_semaphore, #tpu.memory_space<semaphore_mem>>) src(%arg9 : memref<80x128xf32, #tpu.memory_space<vmem>>) dst(%dma_wait3A_231 : memref<80x128xf32, #tpu.memory_space<hbm>>)
      } else {
      }
      %lt3A_127 = arith.constant 39 : i32
      %lt3A_128 = arith.cmpi slt, %add3A_121, %lt3A_127 : i32
      %convert_element_type3A_129 = arith.extui %lt3A_128 : i1 to i32
      %cond3A_130 = arith.constant 0 : i32
      %cond3A_131 = arith.cmpi ne, %convert_element_type3A_129, %cond3A_130 : i32
      scf.if %cond3A_131 {
        %add3A_214 = arith.constant 1 : i32
        %add3A_215 = arith.addi %add3A_121, %add3A_214 : i32
        %sub3A_216 = arith.constant 1 : i32
        %sub3A_217 = arith.subi %add3A_8, %sub3A_216 : i32
        %min3A_218 = arith.minsi %add3A_215, %sub3A_217 : i32
        %add3A_219 = arith.addi %add3A_4, %min3A_218 : i32
        %mul3A_220 = arith.constant 80 : i32
        %mul3A_221 = arith.muli %add3A_219, %mul3A_220 : i32
        %sub3A_222 = arith.subi %mul3A_221, %min3A_12 : i32
        %add3A_223 = arith.addi %add3A_4, %min3A_218 : i32
        %mul3A_224 = arith.constant 80 : i32
        %mul3A_225 = arith.muli %add3A_223, %mul3A_224 : i32
        %dma_start3A_226 = tpu.memref_slice %arg6[%sub3A_222] : memref<3200xi32, #tpu.memory_space<vmem>> -> memref<80xi32, #tpu.memory_space<vmem>>
        %dma_start3A_227 = arith.constant 0 : i32
        %dma_start3A_228 = arith.constant 0 : i32
        %dma_start3A_229 = tpu.memref_slice %arg5[%dma_start3A_227, %dma_start3A_228] : memref<100x128xf32, #tpu.memory_space<vmem_shared>> -> memref<100x128xf32, #tpu.memory_space<vmem_shared>>
        tpu.enqueue_indirect_dma source(%dma_start3A_229 : memref<100x128xf32, #tpu.memory_space<vmem_shared>>) target(%arg9 : memref<80x128xf32, #tpu.memory_space<vmem>>) offsets(%dma_start3A_226 : memref<80xi32, #tpu.memory_space<vmem>>) semaphore(%arg13 : memref<!tpu.dma_semaphore, #tpu.memory_space<semaphore_mem>>)
      } else {
      }
      %sub3A_132 = arith.constant 1 : i32
      %sub3A_133 = arith.subi %add3A_8, %sub3A_132 : i32
      %min3A_134 = arith.minsi %add3A_121, %sub3A_133 : i32
      %add3A_135 = arith.addi %add3A_4, %min3A_134 : i32
      %mul3A_136 = arith.constant 80 : i32
      %mul3A_137 = arith.muli %add3A_135, %mul3A_136 : i32
      %sub3A_138 = arith.subi %mul3A_137, %min3A_12 : i32
      %add3A_139 = arith.addi %add3A_4, %min3A_134 : i32
      %mul3A_140 = arith.constant 80 : i32
      %mul3A_141 = arith.muli %add3A_139, %mul3A_140 : i32
      %dma_wait3A_142 = tpu.memref_slice %arg6[%sub3A_138] : memref<3200xi32, #tpu.memory_space<vmem>> -> memref<80xi32, #tpu.memory_space<vmem>>
      %dma_wait3A_143 = arith.constant 0 : i32
      %dma_wait3A_144 = arith.constant 0 : i32
      %dma_wait3A_145 = tpu.memref_slice %arg5[%dma_wait3A_143, %dma_wait3A_144] : memref<100x128xf32, #tpu.memory_space<vmem_shared>> -> memref<100x128xf32, #tpu.memory_space<vmem_shared>>
      tpu.wait_indirect_dma semaphore(%arg12 : memref<!tpu.dma_semaphore, #tpu.memory_space<semaphore_mem>>) src(%dma_wait3A_145 : memref<100x128xf32, #tpu.memory_space<vmem_shared>>) dst(%arg8 : memref<80x128xf32, #tpu.memory_space<vmem>>)
      %dma_start3A_146 = arith.constant 0 : i32
      %dma_start3A_147 = tpu.memref_slice %arg4[%mul3A_141, %dma_start3A_146] : memref<100000x128xf32, #tpu.memory_space<hbm>> -> memref<80x128xf32, #tpu.memory_space<hbm>>
      %dma_start3A_148 = arith.constant 0 : i32
      %dma_start3A_149 = tpu.memref_slice %arg4[%mul3A_141, %dma_start3A_148] : memref<100000x128xf32, #tpu.memory_space<hbm>> -> memref<80x128xf32, #tpu.memory_space<hbm>>
      tpu.enqueue_dma source(%arg8 : memref<80x128xf32, #tpu.memory_space<vmem>>) target(%dma_start3A_149 : memref<80x128xf32, #tpu.memory_space<hbm>>) target_semaphore(%arg16 : memref<!tpu.dma_semaphore, #tpu.memory_space<semaphore_mem>>)
      %mul3A_150 = arith.constant 4 : i32
      %mul3A_151 = arith.muli %scan3A_86, %mul3A_150 : i32
      %add3A_152 = arith.constant 2 : i32
      %add3A_153 = arith.addi %mul3A_151, %add3A_152 : i32
      %ge3A_154 = arith.constant 3 : i32
      %ge3A_155 = arith.cmpi sge, %add3A_153, %ge3A_154 : i32
      %convert_element_type3A_156 = arith.extui %ge3A_155 : i1 to i32
      %cond3A_157 = arith.constant 0 : i32
      %cond3A_158 = arith.cmpi ne, %convert_element_type3A_156, %cond3A_157 : i32
      scf.if %cond3A_158 {
        %add3A_214 = arith.constant 1 : i32
        %add3A_215 = arith.addi %add3A_153, %add3A_214 : i32
        %sub3A_216 = arith.constant 4 : i32
        %sub3A_217 = arith.subi %add3A_215, %sub3A_216 : i32
        %sub3A_218 = arith.constant 1 : i32
        %sub3A_219 = arith.subi %add3A_8, %sub3A_218 : i32
        %min3A_220 = arith.minsi %sub3A_217, %sub3A_219 : i32
        %add3A_221 = arith.addi %add3A_4, %min3A_220 : i32
        %mul3A_222 = arith.constant 80 : i32
        %mul3A_223 = arith.muli %add3A_221, %mul3A_222 : i32
        %sub3A_224 = arith.subi %mul3A_223, %min3A_12 : i32
        %add3A_225 = arith.addi %add3A_4, %min3A_220 : i32
        %mul3A_226 = arith.constant 80 : i32
        %mul3A_227 = arith.muli %add3A_225, %mul3A_226 : i32
        %dma_wait3A_228 = arith.constant 0 : i32
        %dma_wait3A_229 = tpu.memref_slice %arg4[%mul3A_227, %dma_wait3A_228] : memref<100000x128xf32, #tpu.memory_space<hbm>> -> memref<80x128xf32, #tpu.memory_space<hbm>>
        %dma_wait3A_230 = arith.constant 0 : i32
        %dma_wait3A_231 = tpu.memref_slice %arg4[%mul3A_227, %dma_wait3A_230] : memref<100000x128xf32, #tpu.memory_space<hbm>> -> memref<80x128xf32, #tpu.memory_space<hbm>>
        tpu.wait_dma2 semaphore(%arg18 : memref<!tpu.dma_semaphore, #tpu.memory_space<semaphore_mem>>) src(%arg10 : memref<80x128xf32, #tpu.memory_space<vmem>>) dst(%dma_wait3A_231 : memref<80x128xf32, #tpu.memory_space<hbm>>)
      } else {
      }
      %lt3A_159 = arith.constant 39 : i32
      %lt3A_160 = arith.cmpi slt, %add3A_153, %lt3A_159 : i32
      %convert_element_type3A_161 = arith.extui %lt3A_160 : i1 to i32
      %cond3A_162 = arith.constant 0 : i32
      %cond3A_163 = arith.cmpi ne, %convert_element_type3A_161, %cond3A_162 : i32
      scf.if %cond3A_163 {
        %add3A_214 = arith.constant 1 : i32
        %add3A_215 = arith.addi %add3A_153, %add3A_214 : i32
        %sub3A_216 = arith.constant 1 : i32
        %sub3A_217 = arith.subi %add3A_8, %sub3A_216 : i32
        %min3A_218 = arith.minsi %add3A_215, %sub3A_217 : i32
        %add3A_219 = arith.addi %add3A_4, %min3A_218 : i32
        %mul3A_220 = arith.constant 80 : i32
        %mul3A_221 = arith.muli %add3A_219, %mul3A_220 : i32
        %sub3A_222 = arith.subi %mul3A_221, %min3A_12 : i32
        %add3A_223 = arith.addi %add3A_4, %min3A_218 : i32
        %mul3A_224 = arith.constant 80 : i32
        %mul3A_225 = arith.muli %add3A_223, %mul3A_224 : i32
        %dma_start3A_226 = tpu.memref_slice %arg6[%sub3A_222] : memref<3200xi32, #tpu.memory_space<vmem>> -> memref<80xi32, #tpu.memory_space<vmem>>
        %dma_start3A_227 = arith.constant 0 : i32
        %dma_start3A_228 = arith.constant 0 : i32
        %dma_start3A_229 = tpu.memref_slice %arg5[%dma_start3A_227, %dma_start3A_228] : memref<100x128xf32, #tpu.memory_space<vmem_shared>> -> memref<100x128xf32, #tpu.memory_space<vmem_shared>>
        tpu.enqueue_indirect_dma source(%dma_start3A_229 : memref<100x128xf32, #tpu.memory_space<vmem_shared>>) target(%arg10 : memref<80x128xf32, #tpu.memory_space<vmem>>) offsets(%dma_start3A_226 : memref<80xi32, #tpu.memory_space<vmem>>) semaphore(%arg14 : memref<!tpu.dma_semaphore, #tpu.memory_space<semaphore_mem>>)
      } else {
      }
      %sub3A_164 = arith.constant 1 : i32
      %sub3A_165 = arith.subi %add3A_8, %sub3A_164 : i32
      %min3A_166 = arith.minsi %add3A_153, %sub3A_165 : i32
      %add3A_167 = arith.addi %add3A_4, %min3A_166 : i32
      %mul3A_168 = arith.constant 80 : i32
      %mul3A_169 = arith.muli %add3A_167, %mul3A_168 : i32
      %sub3A_170 = arith.subi %mul3A_169, %min3A_12 : i32
      %add3A_171 = arith.addi %add3A_4, %min3A_166 : i32
      %mul3A_172 = arith.constant 80 : i32
      %mul3A_173 = arith.muli %add3A_171, %mul3A_172 : i32
      %dma_wait3A_174 = tpu.memref_slice %arg6[%sub3A_170] : memref<3200xi32, #tpu.memory_space<vmem>> -> memref<80xi32, #tpu.memory_space<vmem>>
      %dma_wait3A_175 = arith.constant 0 : i32
      %dma_wait3A_176 = arith.constant 0 : i32
      %dma_wait3A_177 = tpu.memref_slice %arg5[%dma_wait3A_175, %dma_wait3A_176] : memref<100x128xf32, #tpu.memory_space<vmem_shared>> -> memref<100x128xf32, #tpu.memory_space<vmem_shared>>
      tpu.wait_indirect_dma semaphore(%arg13 : memref<!tpu.dma_semaphore, #tpu.memory_space<semaphore_mem>>) src(%dma_wait3A_177 : memref<100x128xf32, #tpu.memory_space<vmem_shared>>) dst(%arg9 : memref<80x128xf32, #tpu.memory_space<vmem>>)
      %dma_start3A_178 = arith.constant 0 : i32
      %dma_start3A_179 = tpu.memref_slice %arg4[%mul3A_173, %dma_start3A_178] : memref<100000x128xf32, #tpu.memory_space<hbm>> -> memref<80x128xf32, #tpu.memory_space<hbm>>
      %dma_start3A_180 = arith.constant 0 : i32
      %dma_start3A_181 = tpu.memref_slice %arg4[%mul3A_173, %dma_start3A_180] : memref<100000x128xf32, #tpu.memory_space<hbm>> -> memref<80x128xf32, #tpu.memory_space<hbm>>
      tpu.enqueue_dma source(%arg9 : memref<80x128xf32, #tpu.memory_space<vmem>>) target(%dma_start3A_181 : memref<80x128xf32, #tpu.memory_space<hbm>>) target_semaphore(%arg17 : memref<!tpu.dma_semaphore, #tpu.memory_space<semaphore_mem>>)
      %mul3A_182 = arith.constant 4 : i32
      %mul3A_183 = arith.muli %scan3A_86, %mul3A_182 : i32
      %add3A_184 = arith.constant 3 : i32
      %add3A_185 = arith.addi %mul3A_183, %add3A_184 : i32
      %ge3A_186 = arith.constant 3 : i32
      %ge3A_187 = arith.cmpi sge, %add3A_185, %ge3A_186 : i32
      %convert_element_type3A_188 = arith.extui %ge3A_187 : i1 to i32
      %cond3A_189 = arith.constant 0 : i32
      %cond3A_190 = arith.cmpi ne, %convert_element_type3A_188, %cond3A_189 : i32
      scf.if %cond3A_190 {
        %add3A_214 = arith.constant 1 : i32
        %add3A_215 = arith.addi %add3A_185, %add3A_214 : i32
        %sub3A_216 = arith.constant 4 : i32
        %sub3A_217 = arith.subi %add3A_215, %sub3A_216 : i32
        %sub3A_218 = arith.constant 1 : i32
        %sub3A_219 = arith.subi %add3A_8, %sub3A_218 : i32
        %min3A_220 = arith.minsi %sub3A_217, %sub3A_219 : i32
        %add3A_221 = arith.addi %add3A_4, %min3A_220 : i32
        %mul3A_222 = arith.constant 80 : i32
        %mul3A_223 = arith.muli %add3A_221, %mul3A_222 : i32
        %sub3A_224 = arith.subi %mul3A_223, %min3A_12 : i32
        %add3A_225 = arith.addi %add3A_4, %min3A_220 : i32
        %mul3A_226 = arith.constant 80 : i32
        %mul3A_227 = arith.muli %add3A_225, %mul3A_226 : i32
        %dma_wait3A_228 = arith.constant 0 : i32
        %dma_wait3A_229 = tpu.memref_slice %arg4[%mul3A_227, %dma_wait3A_228] : memref<100000x128xf32, #tpu.memory_space<hbm>> -> memref<80x128xf32, #tpu.memory_space<hbm>>
        %dma_wait3A_230 = arith.constant 0 : i32
        %dma_wait3A_231 = tpu.memref_slice %arg4[%mul3A_227, %dma_wait3A_230] : memref<100000x128xf32, #tpu.memory_space<hbm>> -> memref<80x128xf32, #tpu.memory_space<hbm>>
        tpu.wait_dma2 semaphore(%arg15 : memref<!tpu.dma_semaphore, #tpu.memory_space<semaphore_mem>>) src(%arg7 : memref<80x128xf32, #tpu.memory_space<vmem>>) dst(%dma_wait3A_231 : memref<80x128xf32, #tpu.memory_space<hbm>>)
      } else {
      }
      %lt3A_191 = arith.constant 39 : i32
      %lt3A_192 = arith.cmpi slt, %add3A_185, %lt3A_191 : i32
      %convert_element_type3A_193 = arith.extui %lt3A_192 : i1 to i32
      %cond3A_194 = arith.constant 0 : i32
      %cond3A_195 = arith.cmpi ne, %convert_element_type3A_193, %cond3A_194 : i32
      scf.if %cond3A_195 {
        %add3A_214 = arith.constant 1 : i32
        %add3A_215 = arith.addi %add3A_185, %add3A_214 : i32
        %sub3A_216 = arith.constant 1 : i32
        %sub3A_217 = arith.subi %add3A_8, %sub3A_216 : i32
        %min3A_218 = arith.minsi %add3A_215, %sub3A_217 : i32
        %add3A_219 = arith.addi %add3A_4, %min3A_218 : i32
        %mul3A_220 = arith.constant 80 : i32
        %mul3A_221 = arith.muli %add3A_219, %mul3A_220 : i32
        %sub3A_222 = arith.subi %mul3A_221, %min3A_12 : i32
        %add3A_223 = arith.addi %add3A_4, %min3A_218 : i32
        %mul3A_224 = arith.constant 80 : i32
        %mul3A_225 = arith.muli %add3A_223, %mul3A_224 : i32
        %dma_start3A_226 = tpu.memref_slice %arg6[%sub3A_222] : memref<3200xi32, #tpu.memory_space<vmem>> -> memref<80xi32, #tpu.memory_space<vmem>>
        %dma_start3A_227 = arith.constant 0 : i32
        %dma_start3A_228 = arith.constant 0 : i32
        %dma_start3A_229 = tpu.memref_slice %arg5[%dma_start3A_227, %dma_start3A_228] : memref<100x128xf32, #tpu.memory_space<vmem_shared>> -> memref<100x128xf32, #tpu.memory_space<vmem_shared>>
        tpu.enqueue_indirect_dma source(%dma_start3A_229 : memref<100x128xf32, #tpu.memory_space<vmem_shared>>) target(%arg7 : memref<80x128xf32, #tpu.memory_space<vmem>>) offsets(%dma_start3A_226 : memref<80xi32, #tpu.memory_space<vmem>>) semaphore(%arg11 : memref<!tpu.dma_semaphore, #tpu.memory_space<semaphore_mem>>)
      } else {
      }
      %sub3A_196 = arith.constant 1 : i32
      %sub3A_197 = arith.subi %add3A_8, %sub3A_196 : i32
      %min3A_198 = arith.minsi %add3A_185, %sub3A_197 : i32
      %add3A_199 = arith.addi %add3A_4, %min3A_198 : i32
      %mul3A_200 = arith.constant 80 : i32
      %mul3A_201 = arith.muli %add3A_199, %mul3A_200 : i32
      %sub3A_202 = arith.subi %mul3A_201, %min3A_12 : i32
      %add3A_203 = arith.addi %add3A_4, %min3A_198 : i32
      %mul3A_204 = arith.constant 80 : i32
      %mul3A_205 = arith.muli %add3A_203, %mul3A_204 : i32
      %dma_wait3A_206 = tpu.memref_slice %arg6[%sub3A_202] : memref<3200xi32, #tpu.memory_space<vmem>> -> memref<80xi32, #tpu.memory_space<vmem>>
      %dma_wait3A_207 = arith.constant 0 : i32
      %dma_wait3A_208 = arith.constant 0 : i32
      %dma_wait3A_209 = tpu.memref_slice %arg5[%dma_wait3A_207, %dma_wait3A_208] : memref<100x128xf32, #tpu.memory_space<vmem_shared>> -> memref<100x128xf32, #tpu.memory_space<vmem_shared>>
      tpu.wait_indirect_dma semaphore(%arg14 : memref<!tpu.dma_semaphore, #tpu.memory_space<semaphore_mem>>) src(%dma_wait3A_209 : memref<100x128xf32, #tpu.memory_space<vmem_shared>>) dst(%arg10 : memref<80x128xf32, #tpu.memory_space<vmem>>)
      %dma_start3A_210 = arith.constant 0 : i32
      %dma_start3A_211 = tpu.memref_slice %arg4[%mul3A_205, %dma_start3A_210] : memref<100000x128xf32, #tpu.memory_space<hbm>> -> memref<80x128xf32, #tpu.memory_space<hbm>>
      %dma_start3A_212 = arith.constant 0 : i32
      %dma_start3A_213 = tpu.memref_slice %arg4[%mul3A_205, %dma_start3A_212] : memref<100000x128xf32, #tpu.memory_space<hbm>> -> memref<80x128xf32, #tpu.memory_space<hbm>>
      tpu.enqueue_dma source(%arg10 : memref<80x128xf32, #tpu.memory_space<vmem>>) target(%dma_start3A_213 : memref<80x128xf32, #tpu.memory_space<hbm>>) target_semaphore(%arg18 : memref<!tpu.dma_semaphore, #tpu.memory_space<semaphore_mem>>)
    }
    %scan3A_40 = arith.constant 10 : i32
    %sub3A_41 = arith.constant 1 : i32
    %sub3A_42 = arith.subi %add3A_8, %sub3A_41 : i32
    %min3A_43 = arith.constant 37 : i32
    %min3A_44 = arith.minsi %min3A_43, %sub3A_42 : i32
    %add3A_45 = arith.addi %add3A_4, %min3A_44 : i32
    %mul3A_46 = arith.constant 80 : i32
    %mul3A_47 = arith.muli %add3A_45, %mul3A_46 : i32
    %sub3A_48 = arith.subi %mul3A_47, %min3A_12 : i32
    %add3A_49 = arith.addi %add3A_4, %min3A_44 : i32
    %mul3A_50 = arith.constant 80 : i32
    %mul3A_51 = arith.muli %add3A_49, %mul3A_50 : i32
    %dma_wait3A_52 = arith.constant 0 : i32
    %dma_wait3A_53 = tpu.memref_slice %arg4[%mul3A_51, %dma_wait3A_52] : memref<100000x128xf32, #tpu.memory_space<hbm>> -> memref<80x128xf32, #tpu.memory_space<hbm>>
    %dma_wait3A_54 = arith.constant 0 : i32
    %dma_wait3A_55 = tpu.memref_slice %arg4[%mul3A_51, %dma_wait3A_54] : memref<100000x128xf32, #tpu.memory_space<hbm>> -> memref<80x128xf32, #tpu.memory_space<hbm>>
    tpu.wait_dma2 semaphore(%arg16 : memref<!tpu.dma_semaphore, #tpu.memory_space<semaphore_mem>>) src(%arg8 : memref<80x128xf32, #tpu.memory_space<vmem>>) dst(%dma_wait3A_55 : memref<80x128xf32, #tpu.memory_space<hbm>>)
    %sub3A_56 = arith.constant 1 : i32
    %sub3A_57 = arith.subi %add3A_8, %sub3A_56 : i32
    %min3A_58 = arith.constant 38 : i32
    %min3A_59 = arith.minsi %min3A_58, %sub3A_57 : i32
    %add3A_60 = arith.addi %add3A_4, %min3A_59 : i32
    %mul3A_61 = arith.constant 80 : i32
    %mul3A_62 = arith.muli %add3A_60, %mul3A_61 : i32
    %sub3A_63 = arith.subi %mul3A_62, %min3A_12 : i32
    %add3A_64 = arith.addi %add3A_4, %min3A_59 : i32
    %mul3A_65 = arith.constant 80 : i32
    %mul3A_66 = arith.muli %add3A_64, %mul3A_65 : i32
    %dma_wait3A_67 = arith.constant 0 : i32
    %dma_wait3A_68 = tpu.memref_slice %arg4[%mul3A_66, %dma_wait3A_67] : memref<100000x128xf32, #tpu.memory_space<hbm>> -> memref<80x128xf32, #tpu.memory_space<hbm>>
    %dma_wait3A_69 = arith.constant 0 : i32
    %dma_wait3A_70 = tpu.memref_slice %arg4[%mul3A_66, %dma_wait3A_69] : memref<100000x128xf32, #tpu.memory_space<hbm>> -> memref<80x128xf32, #tpu.memory_space<hbm>>
    tpu.wait_dma2 semaphore(%arg17 : memref<!tpu.dma_semaphore, #tpu.memory_space<semaphore_mem>>) src(%arg9 : memref<80x128xf32, #tpu.memory_space<vmem>>) dst(%dma_wait3A_70 : memref<80x128xf32, #tpu.memory_space<hbm>>)
    %sub3A_71 = arith.constant 1 : i32
    %sub3A_72 = arith.subi %add3A_8, %sub3A_71 : i32
    %min3A_73 = arith.constant 39 : i32
    %min3A_74 = arith.minsi %min3A_73, %sub3A_72 : i32
    %add3A_75 = arith.addi %add3A_4, %min3A_74 : i32
    %mul3A_76 = arith.constant 80 : i32
    %mul3A_77 = arith.muli %add3A_75, %mul3A_76 : i32
    %sub3A_78 = arith.subi %mul3A_77, %min3A_12 : i32
    %add3A_79 = arith.addi %add3A_4, %min3A_74 : i32
    %mul3A_80 = arith.constant 80 : i32
    %mul3A_81 = arith.muli %add3A_79, %mul3A_80 : i32
    %dma_wait3A_82 = arith.constant 0 : i32
    %dma_wait3A_83 = tpu.memref_slice %arg4[%mul3A_81, %dma_wait3A_82] : memref<100000x128xf32, #tpu.memory_space<hbm>> -> memref<80x128xf32, #tpu.memory_space<hbm>>
    %dma_wait3A_84 = arith.constant 0 : i32
    %dma_wait3A_85 = tpu.memref_slice %arg4[%mul3A_81, %dma_wait3A_84] : memref<100000x128xf32, #tpu.memory_space<hbm>> -> memref<80x128xf32, #tpu.memory_space<hbm>>
    tpu.wait_dma2 semaphore(%arg18 : memref<!tpu.dma_semaphore, #tpu.memory_space<semaphore_mem>>) src(%arg10 : memref<80x128xf32, #tpu.memory_space<vmem>>) dst(%dma_wait3A_85 : memref<80x128xf32, #tpu.memory_space<hbm>>)
    return
  }
}

</mosaic_0001>

<sc_bundles>
// kernel: kernel.3.cloned.1.call-start
scs
__scs_entry_jumppad:
0x0: {  	(pc) =	sbr.rel $0x88, $3  }
0x1: {  	(tag) =	ssettag $0x0;
	lr =	simm.s32 $0x1  }
0x2: {  	[smem:$0x3F9F] =	sst lr;
	_ =	strace $0xD0000000  }
0x3: {  	_ = 	snop  }
0x4: {  	_ = 	snop  }
0x5: {  	_ = 	snop  }
0x6: {  	_ = 	snop  }
0x7: {  	_ = 	snop  }
__scs_overlays_trampoline_lowered:
0x8: {  	[smem:$0x3FAE] =	sst s0  }
0x9: {  	[smem:$0x3FAF] =	sst s1  }
0xa: {  	[smem:$0x3FB0] =	sst s2  }
0xb: {  	[smem:$0x3FB1] =	sst s3  }
0xc: {  	[smem:$0x3FB2] =	sst s4  }
0xd: {  	[smem:$0x3FB3] =	sst s5  }
0xe: {  	[smem:$0x3FB4] =	sst s6  }
0xf: {  	[smem:$0x3FB5] =	sst s7  }
0x10: {  	[smem:$0x3FB6] =	sst s8  }
0x11: {  	[smem:$0x3FB7] =	sst s9;
	s0 =	simm.s32 @!p0 $0x0  }
0x12: {  	s1 =	sld [smem:$0x3F9D];
	s0 =	simm.s32 @p0 $0x1  }
0x13: {  	[smem:$0x3FB8] =	sst s0;
	s0 =	simm.s32 @!p1 $0x0  }
0x14: {  	s2 =	sld [smem:$0x3F9C];
	s0 =	simm.s32 @p1 $0x1  }
0x15: {  	[smem:$0x3FB9] =	sst s0;
	s0 =	simm.s32 @!p2 $0x0  }
0x16: {  	s3 =	sld [smem:$0x3FDB];
	s0 =	simm.s32 @p2 $0x1  }
0x17: {  	s4 =	simm.s32 $0x1BF5;
	[smem:$0x3FBB] =	sst s0  }
0x18: {  	s0 =	sld [smem:$0x3F9E];
	_ =	swait.ge [sflag:s4], $0x0  }
0x19: {  	s7 =	sld [smem:$0x3F9F]  }
0x1a: {  	s8 =	sadd.s32 $0xFFFFE003, lr  }
0x1b: {  	s9 =	sadd.s32 $0xFFFFFEF7, lr;
	s5 =	simm.s32 $0xFFFFFFFF;
	p2 =	slt.u32 s8, $0xFFFFF086  }
0x1c: {  	p1 =	slt.u32 s9, $0xF7A;
	s5 =	simm.s32 @!p2 $0x0  }
0x1d: {  	s5 =	simm.s32 @p1 $0x1;
	p0 =	seq.s32 s7, s2  }
0x1e: {  	s7 =	smul.u32 @!p0 $0xF7A, s2;
	p2 =	seq.s32 @!p0 s5, $0x0  }
0x1f: {  	s9 =	smul.u32 $0xF7A, s1;
	s8 =	simm.s32 @!p0 $0x1BF5;
	p2 =	por !p2, p0  }
0x20: {  	[sflag:s8] =	ssyncset.s32 @!p0 $0xFFFFF086;
	s6 =	sadd.s32 @!p0 s3, s7;
	s7 =	simm.s32 @!p0 $0x108  }
0x21: {  	s3 =	sadd.s32 s3, s9;
	s6 =	sadd.s32 @!p0 $0x88, s6;
	s7 =	simm.s32 @p2 $0x1082  }
0x22: {  	[simem:s7], [sflag:s8] =	dma.local @!p0 [hbm:s6], $0xF7A  }
0x23: {  	s9 =	sor.u32 $0xD0000000, s2;
	s6 =	simm.s32 $0x108;
	_ =	swait.ge @!p0 [sflag:s8], $0x0  }
0x24: {  	s3 =	sadd.s32 $0x88, s3;
	s6 =	simm.s32 @!p1 $0x1082;
	[sflag:s4] =	ssyncset.s32 $0xFFFFF086  }
0x25: {  	[simem:s6], [sflag:s4] =	dma.local [hbm:s3], $0xF7A  }
0x26: {  	[smem:$0x3F9F] =	sst s1;
	(tag) =	ssettag s2;
	_ =	strace s9  }
0x27: {  	s1 =	sld [smem:$0x3FAF]  }
0x28: {  	s2 =	sld [smem:$0x3FB0]  }
0x29: {  	s4 =	sld [smem:$0x3FB2]  }
0x2a: {  	p0 =	seq.s32 s5, $0x0;
	s5 =	sld [smem:$0x3FB3]  }
0x2b: {  	s6 =	sld [smem:$0x3FB4]  }
0x2c: {  	s7 =	sld [smem:$0x3FB5]  }
0x2d: {  	s3 =	simm.s32 $0x108;
	s8 =	sld [smem:$0x3FB6]  }
0x2e: {  	s3 =	simm.s32 @!p0 $0x1082;
	s9 =	sld [smem:$0x3FB7]  }
0x2f: {  	lr =	sadd.s32 s0, s3;
	s0 =	sld [smem:$0x3FAE]  }
0x30: {  	s3 =	sld [smem:$0x3FB1]  }
0x31: {  	[smem:$0x3FBA] =	sst s10  }
0x32: {  	s10 =	sld [smem:$0x3FB8];
	_ =	sdelay $0x3  }
0x33: {  	p0 =	seq.s32 s10, $0x1;
	s10 =	sld [smem:$0x3FBA];
	_ =	sdelay $0x3  }
0x34: {  	[smem:$0x3FBA] =	sst s10  }
0x35: {  	s10 =	sld [smem:$0x3FB9];
	_ =	sdelay $0x3  }
0x36: {  	p1 =	seq.s32 s10, $0x1;
	s10 =	sld [smem:$0x3FBA];
	_ =	sdelay $0x3  }
0x37: {  	[smem:$0x3FBA] =	sst s10  }
0x38: {  	s10 =	sld [smem:$0x3FBB]  }
0x39: {  	_ = 	snop;
	(pc) =	sbr.ind lr, $3  }
0x3a: {  	_ = 	snop  }
0x3b: {  	_ = 	snop  }
0x3c: {  	p2 =	seq.s32 s10, $0x1;
	s10 =	sld [smem:$0x3FBA]  }
0x3d: {  	_ =	shalt  }
0x3e: {  	_ =	shalt  }
0x3f: {  	_ =	shalt  }
0x40: {  	_ =	shalt  }
0x41: {  	_ =	shalt  }
0x42: {  	_ =	shalt  }
0x43: {  	_ =	shalt  }
0x44: {  	_ =	shalt  }
0x45: {  	_ =	shalt  }
0x46: {  	_ =	shalt  }
0x47: {  	_ =	shalt  }
0x48: {  	_ =	shalt  }
0x49: {  	_ =	shalt  }
0x4a: {  	_ =	shalt  }
0x4b: {  	_ =	shalt  }
0x4c: {  	_ =	shalt  }
0x4d: {  	_ =	shalt  }
0x4e: {  	_ =	shalt  }
0x4f: {  	_ =	shalt  }
0x50: {  	_ =	shalt  }
0x51: {  	_ =	shalt  }
0x52: {  	_ =	shalt  }
0x53: {  	_ =	shalt  }
0x54: {  	_ =	shalt  }
0x55: {  	_ =	shalt  }
0x56: {  	_ =	shalt  }
0x57: {  	_ =	shalt  }
0x58: {  	_ =	shalt  }
0x59: {  	_ =	shalt  }
0x5a: {  	_ =	shalt  }
0x5b: {  	_ =	shalt  }
0x5c: {  	_ =	shalt  }
0x5d: {  	_ =	shalt  }
0x5e: {  	_ =	shalt  }
0x5f: {  	_ =	shalt  }
0x60: {  	_ =	shalt  }
0x61: {  	_ =	shalt  }
0x62: {  	_ =	shalt  }
0x63: {  	_ =	shalt  }
0x64: {  	_ =	shalt  }
0x65: {  	_ =	shalt  }
0x66: {  	_ =	shalt  }
0x67: {  	_ =	shalt  }
0x68: {  	_ =	shalt  }
0x69: {  	_ =	shalt  }
0x6a: {  	_ =	shalt  }
0x6b: {  	_ =	shalt  }
0x6c: {  	_ =	shalt  }
0x6d: {  	_ =	shalt  }
0x6e: {  	_ =	shalt  }
0x6f: {  	_ =	shalt  }
0x70: {  	_ =	shalt  }
0x71: {  	_ =	shalt  }
0x72: {  	_ =	shalt  }
0x73: {  	_ =	shalt  }
0x74: {  	_ =	shalt  }
0x75: {  	_ =	shalt  }
0x76: {  	_ =	shalt  }
0x77: {  	_ =	shalt  }
0x78: {  	_ =	shalt  }
0x79: {  	_ =	shalt  }
0x7a: {  	_ =	shalt  }
0x7b: {  	_ =	shalt  }
0x7c: {  	_ =	shalt  }
0x7d: {  	_ =	shalt  }
0x7e: {  	_ =	shalt  }
0x7f: {  	_ =	shalt  }
0x80: {  	_ =	shalt  }
0x81: {  	_ =	shalt  }
0x82: {  	_ =	shalt  }
0x83: {  	_ =	shalt  }
0x84: {  	_ =	shalt  }
0x85: {  	_ =	shalt  }
0x86: {  	_ =	shalt  }
0x87: {  	_ =	shalt  }
.Lfunc_end0:
.L_simem_size_0:
called_computation_lowered:
.L_overlay_start_0:
0x88: {  	s2 =	sld [smem:$0x3FD9]  }
0x89: {  	s3 =	sld [smem:$0x3FFE];
	_ =	sdelay $0x1  }
0x8a: {  	s1 =	srdreg.scid  }
0x8b: {  	s0 =	sand.u32 $0x1, s1  }
0x8c: {  	s18 =	sshll.u32 s0, $0xA;
	s2 =	sadd.s32 s3, s2  }
0x8d: {  	s2 =	sadd.s32 s2, s18  }
0x8e: {  	[smem:$0x3FC6] =	sst s2  }
0x8f: {  	_ = 	snop  }
0x90: {  	s2 =	sld [smem:$0x3FC9]  }
0x91: {  	s19 =	sld [smem:$0x3FC8]  }
0x92: {  	s4 =	sld [smem:$0x3FD0];
	(tm) =	ssettm $0x1  }
0x93: {  	s5 =	sld [smem:$0x3FFB];
	_ =	sdelay $0x3  }
0x94: {  	_ =	strace s5  }
0x95: {  	s5 =	sld [smem:$0x3FFC];
	_ =	sdelay $0x3  }
0x96: {  	_ =	strace s5  }
0x97: {  	s5 =	sld [smem:$0x3FFD];
	_ =	sdelay $0x3  }
0x98: {  	_ =	strace s5  }
0x99: {  	_ =	strace $0x8FFFFFFF  }
0x9a: {  	s20 =	sld [smem:$0x3FDB];
	_ =	sdelay $0x1  }
0x9b: {  	s6 =	simm.s32 $_scs_section_size  }
0x9c: {  	s7 =	simm.s32 $_size__tile_overlayer_lowered;
	s8 =	simm.s32 $_tile_overlayer_lowered  }
0x9d: {  	s23 =	simm.s32 $0x1BFF;
	s22 =	sshll.u32 s8, $0x1;
	s5 =	sadd.s32 s6, s20  }
0x9e: {  	s9 =	simm.s32 $0x0;
	s21 =	sshll.u32 s7, $0x1;
	s7 =	sadd.s32 s22, s5  }
0x9f: {  	[timem:s9], [sflag:s23] =	dma.local [hbm:s7], s21  }
0xa0: {  	_ =	swait.ge [sflag:s23], s21  }
0xa1: {  	s6 =	ssub.s32 $0x0, s21;
	[sflag:s23] =	ssyncset.done $0x0  }
0xa2: {  	[sflag:s23] =	ssyncadd.s32 s6;
	_ =	sdelay $0x1  }
0xa3: {  	s24 =	simm.s32 $0x1B8B  }
0xa4: {  	_ =	swait.ge [sflag:s24], $0x1  }
0xa5: {  	[sflag:s24] =	ssyncset.done $0x0  }
0xa6: {  	s25 =	simm.s32 $0x1B8E;
	[sflag:s24] =	ssyncadd.s32 $0xFFFFFFFF  }
0xa7: {  	s26 =	simm.s32 $execute0_lowered;
	[smem:$0x3FD2] =	sst s25  }
0xa8: {  	s6 =	sshll.u32 s26, $0x1;
	_ =	strace $0x80000046;
	[dreg:$0x1] =	wrdreg $0xFFFFFFFF  }
0xa9: {  	s28 =	simm.s32 $_size_execute0_lowered;
	s5 =	sadd.s32 s5, s6;
	[dreg:$0x0] =	wrdreg $0x0  }
0xaa: {  	s6 =	sshll.u32 s28, $0x1;
	[dreg:$0x2] =	wrdreg s5  }
0xab: {  	[dreg:$0x3] =	wrdreg s6  }
0xac: {  	[dreg:$0x4] =	wrdreg $0xC0  }
0xad: {  	_ =	task [dreg:s9], $0x5FFFF  }
0xae: {  	[dreg:$0x1] =	wrdreg $0xFFFFFFFF  }
0xaf: {  	[dreg:$0x0] =	wrdreg $0x60  }
0xb0: {  	[dreg:$0x2] =	wrdreg s2  }
0xb1: {  	[dreg:$0x3] =	wrdreg s19  }
0xb2: {  	[dreg:$0x4] =	wrdreg s4  }
0xb3: {  	[dreg:$0x5] =	wrdreg $0x0  }
0xb4: {  	[dreg:$0x6] =	wrdreg $0x9  }
0xb5: {  	_ =	task.clear_ibuf [dreg:s9], $0x7FFFF;
	_ =	strace $0x90000046  }
0xb6: {  	s29 =	simm.s32 $0x9;
	_ =	strace $0x80000048  }
0xb7: {  	_ =	swait.ge [sflag:s29], $0x1  }
0xb8: {  	[sflag:s29] =	ssyncadd.s32 $0xFFFFFFFF  }
0xb9: {  	_ =	strace $0x90000048  }
0xba: {  	_ =	sfence  }
0xbb: {  	s30 =	sld [smem:$0x0];
	_ =	sdelay $0x2  }
0xbc: {  	s31 =	sshll.u32 s1, $0xD;
	s1 =	sshrl.u32 s1, $0x2  }
0xbd: {  	s3 =	sand.u32 $0x4000, s31;
	s1 =	sadd.s32 s1, s30  }
0xbe: {  	s0 =	sor.u32 s3, s0;
	s1 =	sshll.u32 s1, $0x11  }
0xbf: {  	s0 =	sor.u32 s1, s0  }
0xc0: {  	s0 =	sadd.s32 $0x8F2B, s0  }
0xc1: {  	[sflag:s0] =	ssyncadd.remote.s32 $0x1  }
0xc2: {  	_ =	sfence.sel $0xFFFF  }
0xc3: {  	[dreg:$0x0] =	wrdreg $0xFFFFFFFF;
	(pc) =	sbr.abs _section_cstart, $3  }
0xc4: {  	[dreg:$0x1] =	wrdreg $0xFFFFFFFF  }
0xc5: {  	_ =	task.clear_ibuf [dreg:s9], $0x2FFFF;
	_ =	strace $0x9FFFFFFF  }
0xc6: {  	(tm) =	ssettm $0x7FFFFFFF  }
0xc7: {  	_ =	shalt  }
tec
execute0_lowered:
.L_overlay_start_1:
0x0: {  	(tag) =	ssettag $0x1  }
0x1: {  	s2 =	rddreg [dreg:$0x0]  }
0x2: {  	s15 =	rddreg [dreg:$0x1]  }
0x3: {  	s0 =	srdreg.scid;
	s3 =	rddreg [dreg:$0x2]  }
0x4: {  	s11 =	stileid.u32;
	s4 =	rddreg [dreg:$0x3]  }
0x5: {  	s6 =	simm.s32 $0x0;
	s17 =	simm.s32 $0x2;
	s28 =	simm.s32 $0x6  }
0x6: {  	s29 =	simm.s32 $0x7;
	s30 =	simm.s32 $0x8;
	s19 =	smul.u32 $0x4E, s11  }
0x7: {  	s31 =	simm.s32 $0x0;
	s0 =	sand.u32 $0x1, s0;
	s14 =	smul.u32 $0x6180, s11  }
0x8: {  	s1 =	sshll.u32 s11, $0x1;
	[smem:$0x7FF] =	sst s6;
	s16 =	smul.u32 $0x18600, s11  }
0x9: {  	p0 =	seq.s32 s11, $0x0;
	s13 =	sadd.s32 $0x1800, s4;
	s20 =	smul.u32 $0x27, s0  }
0xa: {  	s21 =	sadd.s32 $0x300, s15;
	s1 =	sor.u32 s0, s1;
	s22 =	smul.u32 $0x30C0, s0  }
0xb: {  	s9 =	ssub.s32 $0x2, s0;
	_ =	strace $0x80000047;
	s0 =	smul.u32 $0xC300, s0  }
0xc: {  	[dreg:$0x7] =	wrdreg s21;
	s21 =	simm.s32 $0x1;
	s5 =	smul.u32 $0x27, s1  }
0xd: {  	s1 =	smin.u32 s1, $0x2;
	s10 =	sshrl.u32 s9, $0x1;
	s24 =	sadd.s32 s16, s3  }
0xe: {  	s12 =	ssub.s32 s9, s10;
	s23 =	smul.u32 $0x140, s1;
	s5 =	sadd.s32 s1, s5  }
0xf: {  	s10 =	sadd.s32 s19, s1;
	s14 =	sadd.s32 s22, s14;
	s8 =	smul.u32 $0x50, s5  }
0x10: {  	s0 =	sadd.s32 s0, s24;
	s19 =	simm.s32 $0xFA0;
	s22 =	simm.s32 $0x5FA0  }
0x11: {  	s1 =	smul.u32 $0x500, s1;
	s25 =	smax.u32 s12, $0x1;
	s7 =	smin.u32 s8, $0x17A20  }
0x12: {  	s24 =	simm.s32 $0x3;
	[dreg:$0x9] =	wrdreg s25;
	s18 =	sshrl.u32 s7, $0x3  }
0x13: {  	s25 =	simm.s32 $0x5;
	s0 =	sadd.s32 s1, s0;
	s2 =	sadd.s32 s2, s18  }
0x14: {  	s8 =	ssub.s32 s8, s7;
	[dreg:$0x6] =	wrdreg s2;
	s2 =	sadd.s32 s20, s10  }
0x15: {  	[dreg:$0x5] =	wrdreg s0;
	s8 =	sadd.s32 $0x320, s8;
	s2 =	smul.u32 $0x50, s2  }
0x16: {  	s18 =	simm.s32 $0x50;
	s10 =	simm.s32 $0x27;
	[dreg:$0x8] =	wrdreg s8  }
0x17: {  	s8 =	sadd.s32 s23, s14;
	s20 =	simm.s32 $0x37A0;
	s2 =	smin.u32 s2, $0x17A20  }
0x18: {  	s10 =	simm.s32 @!p0 $0x26;
	p0 =	seq.s32 s11, $0x1;
	s2 =	sshll.u32 s2, $0x2  }
0x19: {  	s23 =	simm.s32 $0x87A0;
	p1 =	sne.s32 @!p0 s11, $0x0;
	s2 =	ssub.s32 s8, s2  }
0x1a: {  	s0 =	sshrl.u32 @p0 s13, $0x3;
	p1 =	por p1, p0;
	s2 =	sadd.s32 $0x140, s2  }
0x1b: {  	[dreg:$0xa] =	wrdreg s0;
	s0 =	sshrl.u32 @!p1 s4, $0x3;
	s26 =	sshra.s32 s2, $0x2  }
0x1c: {  	[dreg:$0xb] =	wrdreg s0;
	s2 =	sadd.s32 $0x320, s26;
	s26 =	simm.s32 $0x4  }
.LBB2_1:
0x1d: {  	s0 =	rddreg [dreg:$0x6]  }
0x1e: {  	s1 =	simm.s32 $0x320;
	s8 =	rddreg [dreg:$0xa]  }
0x1f: {  	[tilespmem:s1], [sflag:$0x2] =	stream.linear.gather [hbm4b:s0+s6], $0xC80, $0x38;
	[tilespmem:$0xAFA0] =	vst v63  }
0x20: {  	s0 =	simm.s32 @p0 $0x1C49;
	s1 =	rddreg [dreg:$0x7]  }
0x21: {  	[spmem:s8], [sflag:s0] =	dma.local @p0 [hbm:s1], $0x340  }
0x22: {  	s0 =	simm.s32 @p0 $0x9  }
0x23: {  	_ =	swait.ge @p0 [sflag:s0], $0x340  }
0x24: {  	[sflag:s0] =	ssyncset.done @p0 $0x0  }
0x25: {  	s8 =	rddreg [dreg:$0xb];
	[sflag:s0] =	ssyncadd.s32 @p0 $0xFFFFFCC0  }
0x26: {  	s0 =	simm.s32 @!p1 $0x1C09;
	s1 =	rddreg [dreg:$0x1]  }
0x27: {  	[spmem:s8], [sflag:s0] =	dma.local @!p1 [hbm:s1], $0x300  }
0x28: {  	s0 =	simm.s32 @!p1 $0x9  }
0x29: {  	_ =	swait.ge @!p1 [sflag:s0], $0x300  }
0x2a: {  	[sflag:s0] =	ssyncset.done @!p1 $0x0  }
0x2b: {  	[sflag:s0] =	ssyncadd.s32 @!p1 $0xFFFFFD00  }
0x2c: {  	[bflag:$0x0] =	sbarrier.arrive $0xFFFF  }
0x2d: {  	_ =	swait.ge [sflag:s17], $0xC80  }
0x2e: {  	p2 =	por $0x1, $0x1;
	[sflag:s17] =	ssyncset.done $0x0  }
0x2f: {  	s0 =	simm.s32 @!p2 $0x6;
	s8 =	rddreg [dreg:$0x8];
	[sflag:s17] =	ssyncadd.s32 $0xFFFFF380  }
0x30: {  	[tilespmem:s19], [sflag:$0x1] =	stream.indirect.gather [spmem:s4], $0x80, s8, s18, $0xb8;
	[tilespmem:$0xAFA0] =	vst v63  }
0x31: {  	_ =	swait.ge @!p2 [sflag:s0], $0x2800  }
0x32: {  	[sflag:s0] =	ssyncset.done @!p2 $0x0  }
0x33: {  	[sflag:s0] =	ssyncadd.s32 @!p2 $0xFFFFD800  }
0x34: {  	[tilespmem:s20], [sflag:$0x2] =	stream.indirect.gather [spmem:s4], $0x80, s2, s18, $0xb8;
	[tilespmem:$0xAFA0] =	vst v63  }
0x35: {  	_ =	swait.ge [sflag:s21], $0x2800  }
0x36: {  	s9 =	rddreg [dreg:$0x5];
	[sflag:s21] =	ssyncset.done $0x0  }
0x37: {  	s1 =	simm.s32 @!p2 $0x7;
	[sflag:s21] =	ssyncadd.s32 $0xFFFFD800;
	s0 =	sadd.s32 $0x0, s9  }
0x38: {  	[hbm4b:s0+s6] =	stream.linear.scatter [tilespmem:s19], [sflag:$0x5], $0x2800, $0x38;
	[tilespmem:$0xAFA0] =	vst v63  }
0x39: {  	_ =	swait.ge @!p2 [sflag:s1], $0x2800  }
0x3a: {  	s11 =	sadd.s32 $0x50, s2;
	s13 =	simm.s32 $0x3;
	[sflag:s1] =	ssyncset.done @!p2 $0x0  }
0x3b: {  	p3 =	sgt.s32 s10, $0x3;
	[sflag:s1] =	ssyncadd.s32 @!p2 $0xFFFFD800;
	s1 =	smov.u32 s10  }
0x3c: {  	[tilespmem:s22], [sflag:$0x3] =	stream.indirect.gather [spmem:s4], $0x80, s11, s18, $0xb8;
	[tilespmem:$0xAFA0] =	vst v63  }
0x3d: {  	s1 =	smov.u32 @p3 s13;
	_ =	swait.ge [sflag:s17], $0x2800  }
0x3e: {  	s8 =	simm.s32 @!p2 $0x8;
	s1 =	sadd.s32 s5, s1;
	[sflag:s17] =	ssyncset.done $0x0  }
0x3f: {  	s12 =	sadd.s32 $0x500, s0;
	s14 =	smul.u32 $0x50, s1;
	[sflag:s17] =	ssyncadd.s32 $0xFFFFD800  }
0x40: {  	[hbm4b:s12+s6] =	stream.linear.scatter [tilespmem:s20], [sflag:$0x6], $0x2800, $0x38;
	[tilespmem:$0xAFA0] =	vst v63  }
0x41: {  	p3 =	por $0x0, $0x0;
	s15 =	ssub.s32 s14, s7;
	_ =	swait.ge @!p2 [sflag:s8], $0x2800  }
0x42: {  	p4 =	sgt.s32 @!p3 s10, $0x4;
	s16 =	sadd.s32 $0x320, s15;
	[sflag:s8] =	ssyncset.done @!p2 $0x0  }
0x43: {  	[sflag:s8] =	ssyncadd.s32 @!p2 $0xFFFFD800;
	p2 =	por !p4, p3;
	s8 =	simm.s32 $0x4  }
0x44: {  	[tilespmem:s23], [sflag:$0x4] =	stream.indirect.gather [spmem:s4], $0x80, s16, s18, $0xb8;
	[tilespmem:$0xAFA0] =	vst v63  }
0x45: {  	s8 =	smov.u32 @p2 s10;
	_ =	swait.ge [sflag:s24], $0x2800  }
0x46: {  	s8 =	sadd.s32 @!p3 s5, s8;
	[sflag:s24] =	ssyncset.done $0x0  }
0x47: {  	s0 =	sadd.s32 $0xA00, s0;
	s8 =	smul.u32 @!p3 $0x50, s8;
	[sflag:s24] =	ssyncadd.s32 $0xFFFFD800  }
0x48: {  	[hbm4b:s0+s6] =	stream.linear.scatter [tilespmem:s22], [sflag:$0x7], $0x2800, $0x38;
	[tilespmem:$0xAFA0] =	vst v63  }
0x49: {  	_ =	swait.ge [sflag:s25], $0x2800  }
0x4a: {  	s13 =	simm.s32 @!p3 $0x50;
	s8 =	ssub.s32 @!p3 s8, s7;
	[sflag:s25] =	ssyncset.done $0x0  }
0x4b: {  	s0 =	simm.s32 @!p3 $0xFA0;
	s8 =	sadd.s32 @!p3 $0x320, s8;
	[sflag:s25] =	ssyncadd.s32 $0xFFFFD800  }
0x4c: {  	[tilespmem:s0], [sflag:$0x1] =	stream.indirect.gather @!p3 [spmem:s4], $0x80, s8, s13, $0xb8;
	[tilespmem:$0xAFA0] =	vst v63  }
0x4d: {  	s14 =	simm.s32 $0x2800;
	s0 =	simm.s32 $0x1400;
	s8 =	smul.u32 $0x500, s1  }
0x4e: {  	s1 =	simm.s32 $0x8;
	s13 =	smov.u32 s2;
	_ =	swait.ge [sflag:s26], $0x2800  }
.LBB2_2:
0x4f: {  	[sflag:s26] =	ssyncset.done $0x0  }
0x50: {  	p3 =	seq.s32 s0, $0x0;
	s8 =	sadd.s32 s3, s8;
	[sflag:s26] =	ssyncadd.s32 $0xFFFFD800  }
0x51: {  	[hbm4b:s8+s6] =	stream.linear.scatter [tilespmem:s23], [sflag:$0x8], $0x2800, $0x38;
	[tilespmem:$0xAFA0] =	vst v63  }
0x52: {  	s8 =	simm.s32 @!p3 $0x6  }
0x53: {  	_ =	swait.ge @!p3 [sflag:s8], $0x2800  }
0x54: {  	[sflag:s8] =	ssyncset.done @!p3 $0x0  }
0x55: {  	s13 =	sadd.s32 $0x140, s13;
	[sflag:s8] =	ssyncadd.s32 @!p3 $0xFFFFD800  }
0x56: {  	[tilespmem:s20], [sflag:$0x2] =	stream.indirect.gather [spmem:s4], $0x80, s13, s18, $0xb8;
	[tilespmem:$0xAFA0] =	vst v63  }
0x57: {  	_ =	swait.ge [sflag:s21], $0x2800  }
0x58: {  	s15 =	rddreg [dreg:$0x5];
	[sflag:s21] =	ssyncset.done $0x0  }
0x59: {  	s11 =	simm.s32 @!p3 $0x7;
	[sflag:s21] =	ssyncadd.s32 $0xFFFFD800;
	s12 =	sadd.s32 s0, s15  }
0x5a: {  	[hbm4b:s12+s6] =	stream.linear.scatter [tilespmem:s19], [sflag:$0x5], $0x2800, $0x38;
	[tilespmem:$0xAFA0] =	vst v63  }
0x5b: {  	s9 =	smov.u32 s14;
	_ =	swait.ge @!p3 [sflag:s11], $0x2800  }
0x5c: {  	s0 =	smov.u32 s9;
	s9 =	sadd.s32 $0xFFFFFFFF, s1;
	[sflag:s11] =	ssyncset.done @!p3 $0x0  }
0x5d: {  	p4 =	slt.s32 s9, s10;
	[sflag:s11] =	ssyncadd.s32 @!p3 $0xFFFFD800;
	s11 =	smov.u32 s10  }
0x5e: {  	s16 =	sadd.s32 $0x50, s13;
	s11 =	smov.u32 @p4 s9  }
0x5f: {  	[tilespmem:s22], [sflag:$0x3] =	stream.indirect.gather [spmem:s4], $0x80, s16, s18, $0xb8;
	[tilespmem:$0xAFA0] =	vst v63  }
0x60: {  	_ =	swait.ge [sflag:s17], $0x2800;
	s11 =	sadd.s32 s5, s11  }
0x61: {  	s15 =	simm.s32 @!p3 $0x8;
	[sflag:s17] =	ssyncset.done $0x0;
	s8 =	smul.u32 $0x500, s11  }
0x62: {  	s16 =	sadd.s32 $0x500, s12;
	s11 =	smul.u32 $0x50, s11;
	[sflag:s17] =	ssyncadd.s32 $0xFFFFD800  }
0x63: {  	[hbm4b:s16+s6] =	stream.linear.scatter [tilespmem:s20], [sflag:$0x6], $0x2800, $0x38;
	[tilespmem:$0xAFA0] =	vst v63  }
0x64: {  	_ =	swait.ge @!p3 [sflag:s15], $0x2800  }
0x65: {  	p4 =	sgt.u32 s9, $0x26;
	s11 =	ssub.s32 s11, s7;
	[sflag:s15] =	ssyncset.done @!p3 $0x0  }
0x66: {  	p5 =	slt.s32 @!p4 s1, s10;
	s9 =	sadd.s32 $0x320, s11;
	[sflag:s15] =	ssyncadd.s32 @!p3 $0xFFFFD800  }
0x67: {  	[tilespmem:s23], [sflag:$0x4] =	stream.indirect.gather [spmem:s4], $0x80, s9, s18, $0xb8;
	[tilespmem:$0xAFA0] =	vst v63  }
0x68: {  	p3 =	por !p5, p4;
	s9 =	smov.u32 s1  }
0x69: {  	s14 =	sadd.s32 $0x1400, s14;
	_ =	swait.ge [sflag:s24], $0x2800;
	s9 =	smov.u32 @p3 s10  }
0x6a: {  	p2 =	sne.s32 s14, $0xC800;
	[sflag:s24] =	ssyncset.done $0x0;
	s9 =	sadd.s32 @!p4 s5, s9  }
0x6b: {  	s16 =	sadd.s32 $0xA00, s12;
	[sflag:s24] =	ssyncadd.s32 $0xFFFFD800;
	s9 =	smul.u32 @!p4 $0x50, s9  }
0x6c: {  	[hbm4b:s16+s6] =	stream.linear.scatter [tilespmem:s22], [sflag:$0x7], $0x2800, $0x38;
	[tilespmem:$0xAFA0] =	vst v63  }
.Ltmp0:
0x6d: {  	_ =	swait.ge [sflag:s25], $0x2800;
	(pc) =	sbr.rel @p2 .LBB2_2-.Ltmp0, $4  }
0x6e: {  	s12 =	simm.s32 @!p4 $0x50;
	s9 =	ssub.s32 @!p4 s9, s7;
	[sflag:s25] =	ssyncset.done $0x0  }
0x6f: {  	s11 =	simm.s32 @!p4 $0xFA0;
	s9 =	sadd.s32 @!p4 $0x320, s9;
	[sflag:s25] =	ssyncadd.s32 $0xFFFFD800  }
0x70: {  	[tilespmem:s11], [sflag:$0x1] =	stream.indirect.gather @!p4 [spmem:s4], $0x80, s9, s12, $0xb8;
	[tilespmem:$0xAFA0] =	vst v63  }
0x71: {  	s1 =	sadd.s32 $0x4, s1;
	_ =	swait.ge [sflag:s26], $0x2800  }
0x72: {  	[sflag:s26] =	ssyncset.done $0x0  }
0x73: {  	p2 =	seq.s32 s0, $0x0;
	s8 =	sadd.s32 s3, s8;
	[sflag:s26] =	ssyncadd.s32 $0xFFFFD800  }
0x74: {  	[hbm4b:s8+s6] =	stream.linear.scatter [tilespmem:s23], [sflag:$0x8], $0x2800, $0x38;
	[tilespmem:$0xAFA0] =	vst v63  }
0x75: {  	s8 =	simm.s32 @!p2 $0x6  }
0x76: {  	_ =	swait.ge @!p2 [sflag:s8], $0x2800  }
0x77: {  	[sflag:s8] =	ssyncset.done @!p2 $0x0  }
0x78: {  	s9 =	sadd.s32 $0x140, s13;
	[sflag:s8] =	ssyncadd.s32 @!p2 $0xFFFFD800  }
0x79: {  	[tilespmem:s20], [sflag:$0x2] =	stream.indirect.gather [spmem:s4], $0x80, s9, s18, $0xb8;
	[tilespmem:$0xAFA0] =	vst v63  }
0x7a: {  	_ =	swait.ge [sflag:s21], $0x2800  }
0x7b: {  	s15 =	rddreg [dreg:$0x5];
	[sflag:s21] =	ssyncset.done $0x0  }
0x7c: {  	s11 =	simm.s32 @!p2 $0x7;
	[sflag:s21] =	ssyncadd.s32 $0xFFFFD800;
	s16 =	sadd.s32 s0, s15  }
0x7d: {  	[hbm4b:s16+s6] =	stream.linear.scatter [tilespmem:s19], [sflag:$0x5], $0x2800, $0x38;
	[tilespmem:$0xAFA0] =	vst v63  }
0x7e: {  	_ =	swait.ge @!p2 [sflag:s11], $0x2800  }
0x7f: {  	s12 =	sadd.s32 $0x50, s9;
	s9 =	sadd.s32 $0xFFFFFFFF, s1;
	[sflag:s11] =	ssyncset.done @!p2 $0x0  }
0x80: {  	s8 =	smov.u32 s10;
	p3 =	slt.s32 s9, s10;
	[sflag:s11] =	ssyncadd.s32 @!p2 $0xFFFFD800  }
0x81: {  	[tilespmem:s22], [sflag:$0x3] =	stream.indirect.gather [spmem:s4], $0x80, s12, s18, $0xb8;
	[tilespmem:$0xAFA0] =	vst v63  }
0x82: {  	s8 =	smov.u32 @p3 s9;
	_ =	swait.ge [sflag:s17], $0x2800  }
0x83: {  	s8 =	sadd.s32 s5, s8;
	s13 =	sadd.s32 $0x500, s16;
	[sflag:s17] =	ssyncset.done $0x0  }
0x84: {  	s11 =	simm.s32 @!p2 $0x8;
	s12 =	smul.u32 $0x50, s8;
	[sflag:s17] =	ssyncadd.s32 $0xFFFFD800  }
0x85: {  	[hbm4b:s13+s6] =	stream.linear.scatter [tilespmem:s20], [sflag:$0x6], $0x2800, $0x38;
	[tilespmem:$0xAFA0] =	vst v63  }
0x86: {  	p3 =	sgt.u32 s9, $0x26;
	_ =	swait.ge @!p2 [sflag:s11], $0x2800  }
0x87: {  	p4 =	slt.s32 @!p3 s1, s10;
	s14 =	ssub.s32 s12, s7;
	[sflag:s11] =	ssyncset.done @!p2 $0x0  }
0x88: {  	s9 =	sadd.s32 $0x320, s14;
	[sflag:s11] =	ssyncadd.s32 @!p2 $0xFFFFD800;
	p2 =	por !p4, p3  }
0x89: {  	[tilespmem:s23], [sflag:$0x4] =	stream.indirect.gather [spmem:s4], $0x80, s9, s18, $0xb8;
	[tilespmem:$0xAFA0] =	vst v63  }
0x8a: {  	s1 =	smov.u32 @p2 s10;
	_ =	swait.ge [sflag:s24], $0x2800  }
0x8b: {  	s1 =	sadd.s32 @!p3 s5, s1;
	[sflag:s24] =	ssyncset.done $0x0  }
0x8c: {  	s0 =	sadd.s32 $0xA00, s16;
	s1 =	smul.u32 @!p3 $0x50, s1;
	[sflag:s24] =	ssyncadd.s32 $0xFFFFD800  }
0x8d: {  	[hbm4b:s0+s6] =	stream.linear.scatter [tilespmem:s22], [sflag:$0x7], $0x2800, $0x38;
	[tilespmem:$0xAFA0] =	vst v63  }
0x8e: {  	_ =	swait.ge [sflag:s25], $0x2800  }
0x8f: {  	s9 =	simm.s32 @!p3 $0x50;
	s1 =	ssub.s32 @!p3 s1, s7;
	[sflag:s25] =	ssyncset.done $0x0  }
0x90: {  	s0 =	simm.s32 @!p3 $0xFA0;
	s1 =	sadd.s32 @!p3 $0x320, s1;
	[sflag:s25] =	ssyncadd.s32 $0xFFFFD800  }
0x91: {  	[tilespmem:s0], [sflag:$0x1] =	stream.indirect.gather @!p3 [spmem:s4], $0x80, s1, s9, $0xb8;
	[tilespmem:$0xAFA0] =	vst v63  }
0x92: {  	s15 =	smul.u32 $0x500, s8;
	_ =	swait.ge [sflag:s26], $0x2800  }
0x93: {  	[sflag:s26] =	ssyncset.done $0x0  }
0x94: {  	s0 =	sadd.s32 s3, s15;
	[sflag:s26] =	ssyncadd.s32 $0xFFFFD800  }
0x95: {  	[hbm4b:s0+s6] =	stream.linear.scatter [tilespmem:s23], [sflag:$0x8], $0x2800, $0x38;
	[tilespmem:$0xAFA0] =	vst v63  }
0x96: {  	_ =	swait.ge [sflag:s28], $0x2800  }
0x97: {  	[sflag:s28] =	ssyncset.done $0x0  }
0x98: {  	[sflag:s28] =	ssyncadd.s32 $0xFFFFD800  }
0x99: {  	_ =	swait.ge [sflag:s29], $0x2800  }
0x9a: {  	[sflag:s29] =	ssyncset.done $0x0  }
0x9b: {  	[sflag:s29] =	ssyncadd.s32 $0xFFFFD800  }
0x9c: {  	_ =	swait.ge [sflag:s30], $0x2800  }
0x9d: {  	s31 =	sadd.s32 $0x1, s31;
	s16 =	rddreg [dreg:$0x9]  }
0x9e: {  	p2 =	sne.s32 s31, s16  }
.Ltmp1:
0x9f: {  	_ = 	snop;
	(pc) =	sbr.rel @p2 .LBB2_1-.Ltmp1, $3  }
0xa0: {  	_ =	sdelay $0x1  }
0xa1: {  	[sflag:s30] =	ssyncset.done $0x0  }
0xa2: {  	[sflag:s30] =	ssyncadd.s32 $0xFFFFD800  }
0xa3: {  	_ =	sfence.sel $0x180000  }
0xa4: {  	[bflag:$0x0] =	sbarrier.arrive $0xFFFF  }
0xa5: {  	_ =	strace $0x90000047  }
0xa6: {  	s0 =	stileid.u32;
	[bflag:$0x2] =	sbarrier.arrive $0xFFFF  }
0xa7: {  	p0 =	sne.s32 s0, $0x0;
	s0 =	rddreg [dreg:$0x4]  }
0xa8: {  	s0 =	sadd.s32 @!p0 $0x100000, s0  }
0xa9: {  	[sflag:s0] =	ssyncadd.tile.s32 @!p0 $0x1;
	_ =	shalt  }
.Lfunc_end2:
_tile_overlayer_lowered:
.L_overlay_start_2:
0xaa: {  	(tag) =	ssettag $0x2  }
0xab: {  	s0 =	rddreg [dreg:$0x0];
	s2 =	stileid.u32  }
0xac: {  	s1 =	rddreg [dreg:$0x1];
	p0 =	sne.s32 s2, $0x0  }
0xad: {  	s3 =	rddreg [dreg:$0x2];
	[bflag:$0x3] =	sbarrier.arrive $0xFFFF;
	s2 =	simm.s32 @!p0 $0x1C09  }
0xae: {  	[timem:s3], [sflag:s2] =	dma.local @!p0 [hbm:s0], s1  }
0xaf: {  	s0 =	simm.s32 @!p0 $0x9  }
0xb0: {  	_ =	swait.ge @!p0 [sflag:s0], s1  }
0xb1: {  	s1 =	ssub.s32 @!p0 $0x0, s1;
	[sflag:s0] =	ssyncset.done @!p0 $0x0  }
0xb2: {  	[sflag:s0] =	ssyncadd.s32 @!p0 s1  }
0xb3: {  	[bflag:$0x3] =	sbarrier.arrive $0xFFFF  }
0xb4: {  	_ =	shalt  }

</sc_bundles>
